<compile_context>
chip_gen: v7x
topology: tpu7x:2x2x1
jax: 0.10.2.dev20260603
libtpu: 0.0.44.dev20260713+nightly
codegen_flags: <defaults>
</compile_context>

<pallas_src>
import functools

import jax
import jax.numpy as jnp
from jax import lax
from jax.experimental import pallas as pl
from jax.experimental.pallas import tpu as pltpu
from jax.experimental.pallas import tpu_sc as plsc

_NUM_CODES = 8192
_DIM = 64
_COMMIT = 0.25

_T = 1152
_C = 2048
_N_CHUNKS = _NUM_CODES // _C


def _dist_argmin_kernel(x_ref, xx_ref, cb_ref, cbcb_ref, idx_ref, loss_ref):
    xb = (2.0 * x_ref[...]).astype(jnp.bfloat16)
    xx = xx_ref[...]

    acc_v = jnp.full((_T, 1), jnp.inf, jnp.float32)
    acc_i = jnp.zeros((_T, 1), jnp.int32)
    acc_sq = jnp.zeros((_T, 1), jnp.float32)
    iota = lax.broadcasted_iota(jnp.int32, (_T, _C), 1).astype(jnp.float32)

    for c in range(_N_CHUNKS):
        cb = cb_ref[pl.ds(c * _C, _C), :]
        cbcb = cbcb_ref[:, pl.ds(c * _C, _C)]
        conv = lax.dot_general(xb, cb, (((1,), (1,)), ((), ())),
                               preferred_element_type=jnp.float32)
        a = xx + cbcb
        sq = a - conv
        sqc = jnp.maximum(sq, 0.0)
        d = jnp.sqrt(sqc)
        m = jnp.min(d, axis=1, keepdims=True)
        i_f = jnp.min(jnp.where(d == m, iota, jnp.float32(2**30)),
                      axis=1, keepdims=True)
        i = i_f.astype(jnp.int32) + c * _C
        keep = acc_v <= m
        acc_i = jnp.where(keep, acc_i, i)
        acc_sq = jnp.where(keep, acc_sq, m * m)
        acc_v = jnp.minimum(acc_v, m).astype(jnp.bfloat16).astype(jnp.float32)

    idx_ref[...] = acc_i

    @pl.when(pl.program_id(0) == 0)
    def _():
        loss_ref[...] = jnp.zeros_like(loss_ref)
    loss_ref[...] = loss_ref[...] + jnp.sum(acc_sq).reshape(1, 1)


def _dist_argmin(flat, xx, codebook, cbcb):
    n = flat.shape[0]
    nb = n // _T
    return pl.pallas_call(
        _dist_argmin_kernel,
        grid=(nb,),
        in_specs=[
            pl.BlockSpec((_T, _DIM), lambda i: (i, 0)),
            pl.BlockSpec((_T, 1), lambda i: (i, 0)),
            pl.BlockSpec((_NUM_CODES, _DIM), lambda i: (0, 0)),
            pl.BlockSpec((1, _NUM_CODES), lambda i: (0, 0)),
        ],
        out_specs=[
            pl.BlockSpec((_T, 1), lambda i: (i, 0)),
            pl.BlockSpec((1, 1), lambda i: (0, 0)),
        ],
        out_shape=[
            jax.ShapeDtypeStruct((n, 1), jnp.int32),
            jax.ShapeDtypeStruct((1, 1), jnp.float32),
        ],
    )(flat, xx, codebook, cbcb)


_PAD_DIM = 128


def _sc_gather(codebook_padded, indices):
    n = indices.shape[0]
    info = plsc.get_sparse_core_info()
    nw = info.num_cores * info.num_subcores
    b_per_w = n // nw
    chunk = 96
    n_chunk = b_per_w // chunk
    mesh = plsc.VectorSubcoreMesh(core_axis_name="c", subcore_axis_name="s")

    @functools.partial(
        pl.kernel,
        out_type=jax.ShapeDtypeStruct((n, _PAD_DIM), jnp.float32),
        mesh=mesh,
        scratch_types=[
            pltpu.VMEM((n_chunk, chunk), jnp.int32),
            pltpu.VMEM((b_per_w, _PAD_DIM), jnp.float32),
            pltpu.SemaphoreType.DMA,
        ],
    )
    def gather(table_hbm, idx_hbm, out_hbm, idx_v, rows_v, sem):
        wid = lax.axis_index("s") * info.num_cores + lax.axis_index("c")
        base = wid * b_per_w
        for c in range(n_chunk):
            pltpu.sync_copy(idx_hbm.at[pl.ds(base + c * chunk, chunk)],
                            idx_v.at[c])
        copies = [pltpu.async_copy(table_hbm.at[idx_v.at[c]],
                                   rows_v.at[pl.ds(c * chunk, chunk)], sem)
                  for c in range(n_chunk)]
        for cp in copies:
            cp.wait()
        pltpu.sync_copy(rows_v, out_hbm.at[pl.ds(base, b_per_w)])

    return gather(codebook_padded, indices)


def kernel(x, codebook):
    orig_shape = x.shape
    flat = x.reshape(-1, orig_shape[-1])
    n = flat.shape[0]

    xx = jnp.sum(flat * flat, axis=1, keepdims=True)
    cbcb = jnp.sum(codebook * codebook, axis=1)[None, :]
    idx2d, loss_sum = _dist_argmin(flat, xx, codebook, cbcb)
    indices_flat = idx2d.reshape(n)
    cb_padded = jnp.concatenate(
        [codebook, jnp.zeros((_NUM_CODES, _PAD_DIM - _DIM), jnp.float32)],
        axis=1)
    quantized_flat = _sc_gather(cb_padded, indices_flat)[:, :_DIM]

    mse = loss_sum[0, 0] / jnp.float32(n * _DIM)
    vq_loss = (1.0 + _COMMIT) * mse

    return (quantized_flat.reshape(orig_shape), vq_loss,
            indices_flat.reshape(orig_shape[:-1]))

# --- scband reference (transcript-rebuilt; emitter-appended) ---
"""Pipeline reference for scband-gradient-vq-57080115364777 (READ-ONLY COPY).

The authoritative reference and input builder live on the scoring server;
editing this copy changes nothing except your own understanding.
"""

import jax, jax.numpy as jnp
import numpy as np

NUM_CODES = 8192
DIM = 64
COMMITMENT_COST = 0.25


def setup_inputs(seed: int = 0) -> dict:
    key = jax.random.key(seed)
    kx, kcb = jax.random.split(key)
    x = jax.random.normal(kx, (16, 576, DIM), dtype=jnp.float32)
    bound = 1.0 / NUM_CODES
    codebook = jax.random.uniform(kcb, (NUM_CODES, DIM), dtype=jnp.float32, minval=-bound, maxval=bound)
    return {"x": x, "codebook": codebook}


def reference(x, codebook):
    orig_shape = x.shape
    flat = x.reshape(-1, orig_shape[-1])
    # torch.cdist (p=2): euclidean distances
    sq = (jnp.sum(flat * flat, axis=1, keepdims=True)
          + jnp.sum(codebook * codebook, axis=1)[None, :]
          - 2.0 * flat @ codebook.T)
    dists = jnp.sqrt(jnp.maximum(sq, 0.0))
    indices_flat = jnp.argmin(dists, axis=-1)
    quantized_flat = jnp.take(codebook, indices_flat, axis=0)
    codebook_loss = jnp.mean((quantized_flat - jax.lax.stop_gradient(flat)) ** 2)
    commitment_loss = jnp.mean((flat - jax.lax.stop_gradient(quantized_flat)) ** 2)
    vq_loss = codebook_loss + COMMITMENT_COST * commitment_loss
    quantized_st = flat + jax.lax.stop_gradient(quantized_flat - flat)
    return (quantized_st.reshape(orig_shape), vq_loss, indices_flat.reshape(orig_shape[:-1]))

if __name__ == "__main__":
    import jax
    _d = setup_inputs()
    print(jax.jit(kernel)(*tuple(_d.values())))

</pallas_src>

<mosaic_0001>
#map = affine_map<(d0, d1) -> (0, 0)>
#map1 = affine_map<(d0, d1) -> (0)>
module attributes {stable_mosaic.version = 14 : i64} {
  func.func @gather(%arg0: i32, %arg1: i32, %arg2: memref<8192x128xf32, #tpu.memory_space<hbm>>, %arg3: memref<9216xi32, #tpu.memory_space<hbm>>, %arg4: memref<9216x128xf32, #tpu.memory_space<hbm>>, %arg5: memref<3x96xi32, #tpu.memory_space<vmem>>, %arg6: memref<288x128xf32, #tpu.memory_space<vmem>>, %arg7: memref<!tpu.dma_semaphore, #tpu.memory_space<semaphore_mem>>) attributes {dimension_semantics = [#tpu.dimension_semantics<core_parallel>, #tpu.dimension_semantics<subcore_parallel>], iteration_bounds = array<i64: 2, 16>, scalar_prefetch = 0 : i64, scratch_operands = 3 : i64, tpu.core_type = #tpu.core_type<sc_vector_subcore>, window_params = [{transform_indices = #map}, {transform_indices = #map1}, {transform_indices = #map}]} {
    %mul3A = arith.constant 2 : i32
    %mul3A_0 = arith.muli %arg1, %mul3A : i32
    %add3A = arith.addi %mul3A_0, %arg0 : i32
    %mul3A_1 = arith.constant 288 : i32
    %mul3A_2 = arith.muli %add3A, %mul3A_1 : i32
    %add3A_3 = arith.constant 0 : i32
    %add3A_4 = arith.addi %mul3A_2, %add3A_3 : i32
    %run_scoped3A = arith.constant 0 : i32
    "tpu.region"() ({
      %run_scoped3A_69 = tpu.sem_alloc : memref<!tpu.dma_semaphore, #tpu.memory_space<semaphore_mem>>
      %dma_start3A_70 = arith.constant 0 : i32
      %dma_start3A_71 = tpu.memref_slice %arg5[%run_scoped3A, %dma_start3A_70] : memref<3x96xi32, #tpu.memory_space<vmem>> -> memref<1x96xi32, #tpu.memory_space<vmem>>
      %dma_start3A_72 = tpu.memref_squeeze %dma_start3A_71 : memref<1x96xi32, #tpu.memory_space<vmem>> -> memref<96xi32, #tpu.memory_space<vmem>>
      %dma_start3A_73 = tpu.memref_slice %arg3[%add3A_4] : memref<9216xi32, #tpu.memory_space<hbm>> -> memref<96xi32, #tpu.memory_space<hbm>>
      %dma_start3A_74 = arith.constant 0 : i32
      %dma_start3A_75 = tpu.memref_slice %arg5[%run_scoped3A, %dma_start3A_74] : memref<3x96xi32, #tpu.memory_space<vmem>> -> memref<1x96xi32, #tpu.memory_space<vmem>>
      %dma_start3A_76 = tpu.memref_squeeze %dma_start3A_75 : memref<1x96xi32, #tpu.memory_space<vmem>> -> memref<96xi32, #tpu.memory_space<vmem>>
      %dma_start3A_77 = tpu.memref_slice %arg3[%add3A_4] : memref<9216xi32, #tpu.memory_space<hbm>> -> memref<96xi32, #tpu.memory_space<hbm>>
      tpu.enqueue_dma source(%dma_start3A_77 : memref<96xi32, #tpu.memory_space<hbm>>) target(%dma_start3A_76 : memref<96xi32, #tpu.memory_space<vmem>>) target_semaphore(%run_scoped3A_69 : memref<!tpu.dma_semaphore, #tpu.memory_space<semaphore_mem>>)
      %dma_wait3A_78 = arith.constant 0 : i32
      %dma_wait3A_79 = tpu.memref_slice %arg5[%run_scoped3A, %dma_wait3A_78] : memref<3x96xi32, #tpu.memory_space<vmem>> -> memref<1x96xi32, #tpu.memory_space<vmem>>
      %dma_wait3A_80 = tpu.memref_squeeze %dma_wait3A_79 : memref<1x96xi32, #tpu.memory_space<vmem>> -> memref<96xi32, #tpu.memory_space<vmem>>
      %dma_wait3A_81 = tpu.memref_slice %arg3[%add3A_4] : memref<9216xi32, #tpu.memory_space<hbm>> -> memref<96xi32, #tpu.memory_space<hbm>>
      %dma_wait3A_82 = arith.constant 0 : i32
      %dma_wait3A_83 = tpu.memref_slice %arg5[%run_scoped3A, %dma_wait3A_82] : memref<3x96xi32, #tpu.memory_space<vmem>> -> memref<1x96xi32, #tpu.memory_space<vmem>>
      %dma_wait3A_84 = tpu.memref_squeeze %dma_wait3A_83 : memref<1x96xi32, #tpu.memory_space<vmem>> -> memref<96xi32, #tpu.memory_space<vmem>>
      %dma_wait3A_85 = tpu.memref_slice %arg3[%add3A_4] : memref<9216xi32, #tpu.memory_space<hbm>> -> memref<96xi32, #tpu.memory_space<hbm>>
      tpu.wait_dma2 semaphore(%run_scoped3A_69 : memref<!tpu.dma_semaphore, #tpu.memory_space<semaphore_mem>>) src(%dma_wait3A_85 : memref<96xi32, #tpu.memory_space<hbm>>) dst(%dma_wait3A_84 : memref<96xi32, #tpu.memory_space<vmem>>)
      tpu.yield
    }) : () -> ()
    %add3A_5 = arith.constant 96 : i32
    %add3A_6 = arith.addi %mul3A_2, %add3A_5 : i32
    %run_scoped3A_7 = arith.constant 1 : i32
    "tpu.region"() ({
      %run_scoped3A_69 = tpu.sem_alloc : memref<!tpu.dma_semaphore, #tpu.memory_space<semaphore_mem>>
      %dma_start3A_70 = arith.constant 0 : i32
      %dma_start3A_71 = tpu.memref_slice %arg5[%run_scoped3A_7, %dma_start3A_70] : memref<3x96xi32, #tpu.memory_space<vmem>> -> memref<1x96xi32, #tpu.memory_space<vmem>>
      %dma_start3A_72 = tpu.memref_squeeze %dma_start3A_71 : memref<1x96xi32, #tpu.memory_space<vmem>> -> memref<96xi32, #tpu.memory_space<vmem>>
      %dma_start3A_73 = tpu.memref_slice %arg3[%add3A_6] : memref<9216xi32, #tpu.memory_space<hbm>> -> memref<96xi32, #tpu.memory_space<hbm>>
      %dma_start3A_74 = arith.constant 0 : i32
      %dma_start3A_75 = tpu.memref_slice %arg5[%run_scoped3A_7, %dma_start3A_74] : memref<3x96xi32, #tpu.memory_space<vmem>> -> memref<1x96xi32, #tpu.memory_space<vmem>>
      %dma_start3A_76 = tpu.memref_squeeze %dma_start3A_75 : memref<1x96xi32, #tpu.memory_space<vmem>> -> memref<96xi32, #tpu.memory_space<vmem>>
      %dma_start3A_77 = tpu.memref_slice %arg3[%add3A_6] : memref<9216xi32, #tpu.memory_space<hbm>> -> memref<96xi32, #tpu.memory_space<hbm>>
      tpu.enqueue_dma source(%dma_start3A_77 : memref<96xi32, #tpu.memory_space<hbm>>) target(%dma_start3A_76 : memref<96xi32, #tpu.memory_space<vmem>>) target_semaphore(%run_scoped3A_69 : memref<!tpu.dma_semaphore, #tpu.memory_space<semaphore_mem>>)
      %dma_wait3A_78 = arith.constant 0 : i32
      %dma_wait3A_79 = tpu.memref_slice %arg5[%run_scoped3A_7, %dma_wait3A_78] : memref<3x96xi32, #tpu.memory_space<vmem>> -> memref<1x96xi32, #tpu.memory_space<vmem>>
      %dma_wait3A_80 = tpu.memref_squeeze %dma_wait3A_79 : memref<1x96xi32, #tpu.memory_space<vmem>> -> memref<96xi32, #tpu.memory_space<vmem>>
      %dma_wait3A_81 = tpu.memref_slice %arg3[%add3A_6] : memref<9216xi32, #tpu.memory_space<hbm>> -> memref<96xi32, #tpu.memory_space<hbm>>
      %dma_wait3A_82 = arith.constant 0 : i32
      %dma_wait3A_83 = tpu.memref_slice %arg5[%run_scoped3A_7, %dma_wait3A_82] : memref<3x96xi32, #tpu.memory_space<vmem>> -> memref<1x96xi32, #tpu.memory_space<vmem>>
      %dma_wait3A_84 = tpu.memref_squeeze %dma_wait3A_83 : memref<1x96xi32, #tpu.memory_space<vmem>> -> memref<96xi32, #tpu.memory_space<vmem>>
      %dma_wait3A_85 = tpu.memref_slice %arg3[%add3A_6] : memref<9216xi32, #tpu.memory_space<hbm>> -> memref<96xi32, #tpu.memory_space<hbm>>
      tpu.wait_dma2 semaphore(%run_scoped3A_69 : memref<!tpu.dma_semaphore, #tpu.memory_space<semaphore_mem>>) src(%dma_wait3A_85 : memref<96xi32, #tpu.memory_space<hbm>>) dst(%dma_wait3A_84 : memref<96xi32, #tpu.memory_space<vmem>>)
      tpu.yield
    }) : () -> ()
    %add3A_8 = arith.constant 192 : i32
    %add3A_9 = arith.addi %mul3A_2, %add3A_8 : i32
    %run_scoped3A_10 = arith.constant 2 : i32
    "tpu.region"() ({
      %run_scoped3A_69 = tpu.sem_alloc : memref<!tpu.dma_semaphore, #tpu.memory_space<semaphore_mem>>
      %dma_start3A_70 = arith.constant 0 : i32
      %dma_start3A_71 = tpu.memref_slice %arg5[%run_scoped3A_10, %dma_start3A_70] : memref<3x96xi32, #tpu.memory_space<vmem>> -> memref<1x96xi32, #tpu.memory_space<vmem>>
      %dma_start3A_72 = tpu.memref_squeeze %dma_start3A_71 : memref<1x96xi32, #tpu.memory_space<vmem>> -> memref<96xi32, #tpu.memory_space<vmem>>
      %dma_start3A_73 = tpu.memref_slice %arg3[%add3A_9] : memref<9216xi32, #tpu.memory_space<hbm>> -> memref<96xi32, #tpu.memory_space<hbm>>
      %dma_start3A_74 = arith.constant 0 : i32
      %dma_start3A_75 = tpu.memref_slice %arg5[%run_scoped3A_10, %dma_start3A_74] : memref<3x96xi32, #tpu.memory_space<vmem>> -> memref<1x96xi32, #tpu.memory_space<vmem>>
      %dma_start3A_76 = tpu.memref_squeeze %dma_start3A_75 : memref<1x96xi32, #tpu.memory_space<vmem>> -> memref<96xi32, #tpu.memory_space<vmem>>
      %dma_start3A_77 = tpu.memref_slice %arg3[%add3A_9] : memref<9216xi32, #tpu.memory_space<hbm>> -> memref<96xi32, #tpu.memory_space<hbm>>
      tpu.enqueue_dma source(%dma_start3A_77 : memref<96xi32, #tpu.memory_space<hbm>>) target(%dma_start3A_76 : memref<96xi32, #tpu.memory_space<vmem>>) target_semaphore(%run_scoped3A_69 : memref<!tpu.dma_semaphore, #tpu.memory_space<semaphore_mem>>)
      %dma_wait3A_78 = arith.constant 0 : i32
      %dma_wait3A_79 = tpu.memref_slice %arg5[%run_scoped3A_10, %dma_wait3A_78] : memref<3x96xi32, #tpu.memory_space<vmem>> -> memref<1x96xi32, #tpu.memory_space<vmem>>
      %dma_wait3A_80 = tpu.memref_squeeze %dma_wait3A_79 : memref<1x96xi32, #tpu.memory_space<vmem>> -> memref<96xi32, #tpu.memory_space<vmem>>
      %dma_wait3A_81 = tpu.memref_slice %arg3[%add3A_9] : memref<9216xi32, #tpu.memory_space<hbm>> -> memref<96xi32, #tpu.memory_space<hbm>>
      %dma_wait3A_82 = arith.constant 0 : i32
      %dma_wait3A_83 = tpu.memref_slice %arg5[%run_scoped3A_10, %dma_wait3A_82] : memref<3x96xi32, #tpu.memory_space<vmem>> -> memref<1x96xi32, #tpu.memory_space<vmem>>
      %dma_wait3A_84 = tpu.memref_squeeze %dma_wait3A_83 : memref<1x96xi32, #tpu.memory_space<vmem>> -> memref<96xi32, #tpu.memory_space<vmem>>
      %dma_wait3A_85 = tpu.memref_slice %arg3[%add3A_9] : memref<9216xi32, #tpu.memory_space<hbm>> -> memref<96xi32, #tpu.memory_space<hbm>>
      tpu.wait_dma2 semaphore(%run_scoped3A_69 : memref<!tpu.dma_semaphore, #tpu.memory_space<semaphore_mem>>) src(%dma_wait3A_85 : memref<96xi32, #tpu.memory_space<hbm>>) dst(%dma_wait3A_84 : memref<96xi32, #tpu.memory_space<vmem>>)
      tpu.yield
    }) : () -> ()
    %dma_start3A = arith.constant 0 : i32
    %dma_start3A_11 = arith.constant 0 : i32
    %dma_start3A_12 = arith.constant 0 : i32
    %dma_start3A_13 = tpu.memref_slice %arg6[%dma_start3A_11, %dma_start3A_12] : memref<288x128xf32, #tpu.memory_space<vmem>> -> memref<96x128xf32, #tpu.memory_space<vmem>>
    %dma_start3A_14 = arith.constant 0 : i32
    %dma_start3A_15 = tpu.memref_slice %arg5[%dma_start3A, %dma_start3A_14] : memref<3x96xi32, #tpu.memory_space<vmem>> -> memref<1x96xi32, #tpu.memory_space<vmem>>
    %dma_start3A_16 = tpu.memref_squeeze %dma_start3A_15 : memref<1x96xi32, #tpu.memory_space<vmem>> -> memref<96xi32, #tpu.memory_space<vmem>>
    %dma_start3A_17 = arith.constant 0 : i32
    %dma_start3A_18 = arith.constant 0 : i32
    %dma_start3A_19 = tpu.memref_slice %arg2[%dma_start3A_17, %dma_start3A_18] : memref<8192x128xf32, #tpu.memory_space<hbm>> -> memref<8192x128xf32, #tpu.memory_space<hbm>>
    tpu.enqueue_indirect_dma source(%dma_start3A_19 : memref<8192x128xf32, #tpu.memory_space<hbm>>) target(%dma_start3A_13 : memref<96x128xf32, #tpu.memory_space<vmem>>) offsets(%dma_start3A_16 : memref<96xi32, #tpu.memory_space<vmem>>) semaphore(%arg7 : memref<!tpu.dma_semaphore, #tpu.memory_space<semaphore_mem>>)
    %dma_start3A_20 = arith.constant 1 : i32
    %dma_start3A_21 = arith.constant 96 : i32
    %dma_start3A_22 = arith.constant 0 : i32
    %dma_start3A_23 = tpu.memref_slice %arg6[%dma_start3A_21, %dma_start3A_22] : memref<288x128xf32, #tpu.memory_space<vmem>> -> memref<96x128xf32, #tpu.memory_space<vmem>>
    %dma_start3A_24 = arith.constant 0 : i32
    %dma_start3A_25 = tpu.memref_slice %arg5[%dma_start3A_20, %dma_start3A_24] : memref<3x96xi32, #tpu.memory_space<vmem>> -> memref<1x96xi32, #tpu.memory_space<vmem>>
    %dma_start3A_26 = tpu.memref_squeeze %dma_start3A_25 : memref<1x96xi32, #tpu.memory_space<vmem>> -> memref<96xi32, #tpu.memory_space<vmem>>
    %dma_start3A_27 = arith.constant 0 : i32
    %dma_start3A_28 = arith.constant 0 : i32
    %dma_start3A_29 = tpu.memref_slice %arg2[%dma_start3A_27, %dma_start3A_28] : memref<8192x128xf32, #tpu.memory_space<hbm>> -> memref<8192x128xf32, #tpu.memory_space<hbm>>
    tpu.enqueue_indirect_dma source(%dma_start3A_29 : memref<8192x128xf32, #tpu.memory_space<hbm>>) target(%dma_start3A_23 : memref<96x128xf32, #tpu.memory_space<vmem>>) offsets(%dma_start3A_26 : memref<96xi32, #tpu.memory_space<vmem>>) semaphore(%arg7 : memref<!tpu.dma_semaphore, #tpu.memory_space<semaphore_mem>>)
    %dma_start3A_30 = arith.constant 2 : i32
    %dma_start3A_31 = arith.constant 192 : i32
    %dma_start3A_32 = arith.constant 0 : i32
    %dma_start3A_33 = tpu.memref_slice %arg6[%dma_start3A_31, %dma_start3A_32] : memref<288x128xf32, #tpu.memory_space<vmem>> -> memref<96x128xf32, #tpu.memory_space<vmem>>
    %dma_start3A_34 = arith.constant 0 : i32
    %dma_start3A_35 = tpu.memref_slice %arg5[%dma_start3A_30, %dma_start3A_34] : memref<3x96xi32, #tpu.memory_space<vmem>> -> memref<1x96xi32, #tpu.memory_space<vmem>>
    %dma_start3A_36 = tpu.memref_squeeze %dma_start3A_35 : memref<1x96xi32, #tpu.memory_space<vmem>> -> memref<96xi32, #tpu.memory_space<vmem>>
    %dma_start3A_37 = arith.constant 0 : i32
    %dma_start3A_38 = arith.constant 0 : i32
    %dma_start3A_39 = tpu.memref_slice %arg2[%dma_start3A_37, %dma_start3A_38] : memref<8192x128xf32, #tpu.memory_space<hbm>> -> memref<8192x128xf32, #tpu.memory_space<hbm>>
    tpu.enqueue_indirect_dma source(%dma_start3A_39 : memref<8192x128xf32, #tpu.memory_space<hbm>>) target(%dma_start3A_33 : memref<96x128xf32, #tpu.memory_space<vmem>>) offsets(%dma_start3A_36 : memref<96xi32, #tpu.memory_space<vmem>>) semaphore(%arg7 : memref<!tpu.dma_semaphore, #tpu.memory_space<semaphore_mem>>)
    %dma_wait3A = arith.constant 0 : i32
    %dma_wait3A_40 = arith.constant 0 : i32
    %dma_wait3A_41 = arith.constant 0 : i32
    %dma_wait3A_42 = tpu.memref_slice %arg6[%dma_wait3A_40, %dma_wait3A_41] : memref<288x128xf32, #tpu.memory_space<vmem>> -> memref<96x128xf32, #tpu.memory_space<vmem>>
    %dma_wait3A_43 = arith.constant 0 : i32
    %dma_wait3A_44 = tpu.memref_slice %arg5[%dma_wait3A, %dma_wait3A_43] : memref<3x96xi32, #tpu.memory_space<vmem>> -> memref<1x96xi32, #tpu.memory_space<vmem>>
    %dma_wait3A_45 = tpu.memref_squeeze %dma_wait3A_44 : memref<1x96xi32, #tpu.memory_space<vmem>> -> memref<96xi32, #tpu.memory_space<vmem>>
    %dma_wait3A_46 = arith.constant 0 : i32
    %dma_wait3A_47 = arith.constant 0 : i32
    %dma_wait3A_48 = tpu.memref_slice %arg2[%dma_wait3A_46, %dma_wait3A_47] : memref<8192x128xf32, #tpu.memory_space<hbm>> -> memref<8192x128xf32, #tpu.memory_space<hbm>>
    tpu.wait_indirect_dma semaphore(%arg7 : memref<!tpu.dma_semaphore, #tpu.memory_space<semaphore_mem>>) src(%dma_wait3A_48 : memref<8192x128xf32, #tpu.memory_space<hbm>>) dst(%dma_wait3A_42 : memref<96x128xf32, #tpu.memory_space<vmem>>)
    %dma_wait3A_49 = arith.constant 1 : i32
    %dma_wait3A_50 = arith.constant 96 : i32
    %dma_wait3A_51 = arith.constant 0 : i32
    %dma_wait3A_52 = tpu.memref_slice %arg6[%dma_wait3A_50, %dma_wait3A_51] : memref<288x128xf32, #tpu.memory_space<vmem>> -> memref<96x128xf32, #tpu.memory_space<vmem>>
    %dma_wait3A_53 = arith.constant 0 : i32
    %dma_wait3A_54 = tpu.memref_slice %arg5[%dma_wait3A_49, %dma_wait3A_53] : memref<3x96xi32, #tpu.memory_space<vmem>> -> memref<1x96xi32, #tpu.memory_space<vmem>>
    %dma_wait3A_55 = tpu.memref_squeeze %dma_wait3A_54 : memref<1x96xi32, #tpu.memory_space<vmem>> -> memref<96xi32, #tpu.memory_space<vmem>>
    %dma_wait3A_56 = arith.constant 0 : i32
    %dma_wait3A_57 = arith.constant 0 : i32
    %dma_wait3A_58 = tpu.memref_slice %arg2[%dma_wait3A_56, %dma_wait3A_57] : memref<8192x128xf32, #tpu.memory_space<hbm>> -> memref<8192x128xf32, #tpu.memory_space<hbm>>
    tpu.wait_indirect_dma semaphore(%arg7 : memref<!tpu.dma_semaphore, #tpu.memory_space<semaphore_mem>>) src(%dma_wait3A_58 : memref<8192x128xf32, #tpu.memory_space<hbm>>) dst(%dma_wait3A_52 : memref<96x128xf32, #tpu.memory_space<vmem>>)
    %dma_wait3A_59 = arith.constant 2 : i32
    %dma_wait3A_60 = arith.constant 192 : i32
    %dma_wait3A_61 = arith.constant 0 : i32
    %dma_wait3A_62 = tpu.memref_slice %arg6[%dma_wait3A_60, %dma_wait3A_61] : memref<288x128xf32, #tpu.memory_space<vmem>> -> memref<96x128xf32, #tpu.memory_space<vmem>>
    %dma_wait3A_63 = arith.constant 0 : i32
    %dma_wait3A_64 = tpu.memref_slice %arg5[%dma_wait3A_59, %dma_wait3A_63] : memref<3x96xi32, #tpu.memory_space<vmem>> -> memref<1x96xi32, #tpu.memory_space<vmem>>
    %dma_wait3A_65 = tpu.memref_squeeze %dma_wait3A_64 : memref<1x96xi32, #tpu.memory_space<vmem>> -> memref<96xi32, #tpu.memory_space<vmem>>
    %dma_wait3A_66 = arith.constant 0 : i32
    %dma_wait3A_67 = arith.constant 0 : i32
    %dma_wait3A_68 = tpu.memref_slice %arg2[%dma_wait3A_66, %dma_wait3A_67] : memref<8192x128xf32, #tpu.memory_space<hbm>> -> memref<8192x128xf32, #tpu.memory_space<hbm>>
    tpu.wait_indirect_dma semaphore(%arg7 : memref<!tpu.dma_semaphore, #tpu.memory_space<semaphore_mem>>) src(%dma_wait3A_68 : memref<8192x128xf32, #tpu.memory_space<hbm>>) dst(%dma_wait3A_62 : memref<96x128xf32, #tpu.memory_space<vmem>>)
    "tpu.region"() ({
      %run_scoped3A_69 = tpu.sem_alloc : memref<!tpu.dma_semaphore, #tpu.memory_space<semaphore_mem>>
      %dma_start3A_70 = arith.constant 0 : i32
      %dma_start3A_71 = tpu.memref_slice %arg4[%mul3A_2, %dma_start3A_70] : memref<9216x128xf32, #tpu.memory_space<hbm>> -> memref<288x128xf32, #tpu.memory_space<hbm>>
      %dma_start3A_72 = arith.constant 0 : i32
      %dma_start3A_73 = tpu.memref_slice %arg4[%mul3A_2, %dma_start3A_72] : memref<9216x128xf32, #tpu.memory_space<hbm>> -> memref<288x128xf32, #tpu.memory_space<hbm>>
      tpu.enqueue_dma source(%arg6 : memref<288x128xf32, #tpu.memory_space<vmem>>) target(%dma_start3A_73 : memref<288x128xf32, #tpu.memory_space<hbm>>) target_semaphore(%run_scoped3A_69 : memref<!tpu.dma_semaphore, #tpu.memory_space<semaphore_mem>>)
      %dma_wait3A_74 = arith.constant 0 : i32
      %dma_wait3A_75 = tpu.memref_slice %arg4[%mul3A_2, %dma_wait3A_74] : memref<9216x128xf32, #tpu.memory_space<hbm>> -> memref<288x128xf32, #tpu.memory_space<hbm>>
      %dma_wait3A_76 = arith.constant 0 : i32
      %dma_wait3A_77 = tpu.memref_slice %arg4[%mul3A_2, %dma_wait3A_76] : memref<9216x128xf32, #tpu.memory_space<hbm>> -> memref<288x128xf32, #tpu.memory_space<hbm>>
      tpu.wait_dma2 semaphore(%run_scoped3A_69 : memref<!tpu.dma_semaphore, #tpu.memory_space<semaphore_mem>>) src(%arg6 : memref<288x128xf32, #tpu.memory_space<vmem>>) dst(%dma_wait3A_77 : memref<288x128xf32, #tpu.memory_space<hbm>>)
      tpu.yield
    }) : () -> ()
    return
  }
}

module attributes {stable_mosaic.version = 14 : i64} {
  func.func @_dist_argmin_kernel(%arg0: i32, %arg1: memref<1152x64xf32, #tpu.memory_space<vmem>>, %arg2: memref<1152x1xf32, #tpu.memory_space<vmem>>, %arg3: memref<8192x64xf32, #tpu.memory_space<vmem>>, %arg4: memref<1x8192xf32, #tpu.memory_space<vmem>>, %arg5: memref<1152x1xi32, #tpu.memory_space<vmem>>, %arg6: memref<1x1xf32, #tpu.memory_space<vmem>>) attributes {dimension_semantics = [#tpu.dimension_semantics<arbitrary>], iteration_bounds = array<i64: 8>, scalar_prefetch = 0 : i64, scratch_operands = 0 : i64, tpu.core_type = #tpu.core_type<tc>, window_params = [{transform_indices = @transform_0, window_bounds = array<i64: 1152, 64>}, {transform_indices = @transform_1, window_bounds = array<i64: 1152, 1>}, {pipeline_mode = #tpu.pipeline_mode<synchronous>, transform_indices = @transform_2, window_bounds = array<i64: 8192, 64>}, {pipeline_mode = #tpu.pipeline_mode<synchronous>, transform_indices = @transform_3, window_bounds = array<i64: 1, 8192>}, {transform_indices = @transform_4, window_bounds = array<i64: 1152, 1>}, {pipeline_mode = #tpu.pipeline_mode<synchronous>, transform_indices = @transform_5, window_bounds = array<i64: 1, 1>}]} {
    %get3A = arith.constant 0 : index
    %get3A_0 = arith.constant 0 : index
    %get3A_1 = vector.load %arg1[%get3A, %get3A_0] : memref<1152x64xf32, #tpu.memory_space<vmem>>, vector<1152x64xf32>
    %mul3A = arith.constant 2.000000e+00 : f32
    %mul3A_2 = vector.broadcast %mul3A : f32 to vector<1152x64xf32>
    %mul3A_3 = arith.mulf %mul3A_2, %get3A_1 : vector<1152x64xf32>
    %convert_element_type3A = arith.truncf %mul3A_3 : vector<1152x64xf32> to vector<1152x64xbf16>
    %get3A_4 = arith.constant 0 : index
    %get3A_5 = arith.constant 0 : index
    %get3A_6 = vector.load %arg2[%get3A_4, %get3A_5] : memref<1152x1xf32, #tpu.memory_space<vmem>>, vector<1152x1xf32>
    %broadcast_in_dim3A = arith.constant 0x7F800000 : f32
    %broadcast_in_dim3A_7 = vector.broadcast %broadcast_in_dim3A : f32 to vector<1152x1xf32>
    %broadcast_in_dim3A_8 = arith.constant 0 : i32
    %broadcast_in_dim3A_9 = vector.broadcast %broadcast_in_dim3A_8 : i32 to vector<1152x1xi32>
    %broadcast_in_dim3A_10 = arith.constant 0.000000e+00 : f32
    %broadcast_in_dim3A_11 = vector.broadcast %broadcast_in_dim3A_10 : f32 to vector<1152x1xf32>
    %iota3A = tpu.iota {dimensions = array<i32: 1>} : vector<1152x2048xi32>
    %convert_element_type3A_12 = arith.sitofp %iota3A : vector<1152x2048xi32> to vector<1152x2048xf32>
    %get3A_13 = arith.constant 0 : index
    %get3A_14 = arith.constant 0 : index
    %get3A_15 = vector.load %arg3[%get3A_13, %get3A_14] : memref<8192x64xf32, #tpu.memory_space<vmem>>, vector<2048x64xf32>
    %get3A_16 = arith.constant 0 : index
    %get3A_17 = arith.constant 0 : index
    %get3A_18 = vector.load %arg4[%get3A_16, %get3A_17] : memref<1x8192xf32, #tpu.memory_space<vmem>>, vector<1x2048xf32>
    %dot_general3A = arith.constant dense<0.000000e+00> : vector<1152x2048xf32>
    %dot_general3A_19 = tpu.matmul %convert_element_type3A, %get3A_15, %dot_general3A {dimension_numbers = #tpu.dot_dimension_numbers<[1], [1], [0], [0], [0, 0, 1, 0], [], []>, transpose_lhs_hint = false} : vector<1152x64xbf16>, vector<2048x64xf32>, vector<1152x2048xf32> -> vector<1152x2048xf32>
    %add3A = vector.broadcast %get3A_6 : vector<1152x1xf32> to vector<1152x2048xf32>
    %add3A_20 = vector.broadcast %get3A_18 : vector<1x2048xf32> to vector<1152x2048xf32>
    %add3A_21 = arith.addf %add3A, %add3A_20 : vector<1152x2048xf32>
    %sub3A = arith.subf %add3A_21, %dot_general3A_19 : vector<1152x2048xf32>
    %max3A = arith.constant 0.000000e+00 : f32
    %max3A_22 = vector.broadcast %max3A : f32 to vector<1152x2048xf32>
    %max3A_23 = arith.maximumf %sub3A, %max3A_22 : vector<1152x2048xf32>
    %sqrt3A = math.sqrt %max3A_23 : vector<1152x2048xf32>
    %reduce_min3A = arith.constant dense<0x7F800000> : vector<1152xf32>
    %reduce_min3A_24 = vector.multi_reduction <minimumf>, %sqrt3A, %reduce_min3A [1] : vector<1152x2048xf32> to vector<1152xf32>
    %broadcast_in_dim3A_25 = vector.shape_cast %reduce_min3A_24 : vector<1152xf32> to vector<1152x1xf32>
    %eq3A = vector.broadcast %broadcast_in_dim3A_25 : vector<1152x1xf32> to vector<1152x2048xf32>
    %eq3A_26 = arith.cmpf oeq, %sqrt3A, %eq3A : vector<1152x2048xf32>
    %jit3A = arith.constant 1.07374182E+9 : f32
    %broadcast_in_dim3A_27 = vector.broadcast %jit3A : f32 to vector<1152x2048xf32>
    %select_n3A = arith.select %eq3A_26, %convert_element_type3A_12, %broadcast_in_dim3A_27 : vector<1152x2048xi1>, vector<1152x2048xf32>
    %reduce_min3A_28 = arith.constant dense<0x7F800000> : vector<1152xf32>
    %reduce_min3A_29 = vector.multi_reduction <minimumf>, %select_n3A, %reduce_min3A_28 [1] : vector<1152x2048xf32> to vector<1152xf32>
    %broadcast_in_dim3A_30 = vector.shape_cast %reduce_min3A_29 : vector<1152xf32> to vector<1152x1xf32>
    %convert_element_type3A_31 = arith.fptosi %broadcast_in_dim3A_30 : vector<1152x1xf32> to vector<1152x1xi32>
    %add3A_32 = arith.constant 0 : i32
    %add3A_33 = vector.broadcast %add3A_32 : i32 to vector<1152x1xi32>
    %add3A_34 = arith.addi %convert_element_type3A_31, %add3A_33 : vector<1152x1xi32>
    %le3A = arith.cmpf ole, %broadcast_in_dim3A_7, %broadcast_in_dim3A_25 : vector<1152x1xf32>
    %select_n3A_35 = arith.select %le3A, %broadcast_in_dim3A_9, %add3A_34 : vector<1152x1xi1>, vector<1152x1xi32>
    %mul3A_36 = arith.mulf %broadcast_in_dim3A_25, %broadcast_in_dim3A_25 : vector<1152x1xf32>
    %select_n3A_37 = arith.select %le3A, %broadcast_in_dim3A_11, %mul3A_36 : vector<1152x1xi1>, vector<1152x1xf32>
    %min3A = arith.minimumf %broadcast_in_dim3A_7, %broadcast_in_dim3A_25 : vector<1152x1xf32>
    %convert_element_type3A_38 = arith.truncf %min3A : vector<1152x1xf32> to vector<1152x1xbf16>
    %convert_element_type3A_39 = arith.extf %convert_element_type3A_38 : vector<1152x1xbf16> to vector<1152x1xf32>
    %get3A_40 = arith.constant 2048 : index
    %get3A_41 = arith.constant 0 : index
    %get3A_42 = vector.load %arg3[%get3A_40, %get3A_41] : memref<8192x64xf32, #tpu.memory_space<vmem>>, vector<2048x64xf32>
    %get3A_43 = arith.constant 0 : index
    %get3A_44 = arith.constant 2048 : index
    %get3A_45 = vector.load %arg4[%get3A_43, %get3A_44] : memref<1x8192xf32, #tpu.memory_space<vmem>>, vector<1x2048xf32>
    %dot_general3A_46 = arith.constant dense<0.000000e+00> : vector<1152x2048xf32>
    %dot_general3A_47 = tpu.matmul %convert_element_type3A, %get3A_42, %dot_general3A_46 {dimension_numbers = #tpu.dot_dimension_numbers<[1], [1], [0], [0], [0, 0, 1, 0], [], []>, transpose_lhs_hint = false} : vector<1152x64xbf16>, vector<2048x64xf32>, vector<1152x2048xf32> -> vector<1152x2048xf32>
    %add3A_48 = vector.broadcast %get3A_6 : vector<1152x1xf32> to vector<1152x2048xf32>
    %add3A_49 = vector.broadcast %get3A_45 : vector<1x2048xf32> to vector<1152x2048xf32>
    %add3A_50 = arith.addf %add3A_48, %add3A_49 : vector<1152x2048xf32>
    %sub3A_51 = arith.subf %add3A_50, %dot_general3A_47 : vector<1152x2048xf32>
    %max3A_52 = arith.constant 0.000000e+00 : f32
    %max3A_53 = vector.broadcast %max3A_52 : f32 to vector<1152x2048xf32>
    %max3A_54 = arith.maximumf %sub3A_51, %max3A_53 : vector<1152x2048xf32>
    %sqrt3A_55 = math.sqrt %max3A_54 : vector<1152x2048xf32>
    %reduce_min3A_56 = arith.constant dense<0x7F800000> : vector<1152xf32>
    %reduce_min3A_57 = vector.multi_reduction <minimumf>, %sqrt3A_55, %reduce_min3A_56 [1] : vector<1152x2048xf32> to vector<1152xf32>
    %broadcast_in_dim3A_58 = vector.shape_cast %reduce_min3A_57 : vector<1152xf32> to vector<1152x1xf32>
    %eq3A_59 = vector.broadcast %broadcast_in_dim3A_58 : vector<1152x1xf32> to vector<1152x2048xf32>
    %eq3A_60 = arith.cmpf oeq, %sqrt3A_55, %eq3A_59 : vector<1152x2048xf32>
    %jit3A_61 = arith.constant 1.07374182E+9 : f32
    %broadcast_in_dim3A_62 = vector.broadcast %jit3A_61 : f32 to vector<1152x2048xf32>
    %select_n3A_63 = arith.select %eq3A_60, %convert_element_type3A_12, %broadcast_in_dim3A_62 : vector<1152x2048xi1>, vector<1152x2048xf32>
    %reduce_min3A_64 = arith.constant dense<0x7F800000> : vector<1152xf32>
    %reduce_min3A_65 = vector.multi_reduction <minimumf>, %select_n3A_63, %reduce_min3A_64 [1] : vector<1152x2048xf32> to vector<1152xf32>
    %broadcast_in_dim3A_66 = vector.shape_cast %reduce_min3A_65 : vector<1152xf32> to vector<1152x1xf32>
    %convert_element_type3A_67 = arith.fptosi %broadcast_in_dim3A_66 : vector<1152x1xf32> to vector<1152x1xi32>
    %add3A_68 = arith.constant 2048 : i32
    %add3A_69 = vector.broadcast %add3A_68 : i32 to vector<1152x1xi32>
    %add3A_70 = arith.addi %convert_element_type3A_67, %add3A_69 : vector<1152x1xi32>
    %le3A_71 = arith.cmpf ole, %convert_element_type3A_39, %broadcast_in_dim3A_58 : vector<1152x1xf32>
    %select_n3A_72 = arith.select %le3A_71, %select_n3A_35, %add3A_70 : vector<1152x1xi1>, vector<1152x1xi32>
    %mul3A_73 = arith.mulf %broadcast_in_dim3A_58, %broadcast_in_dim3A_58 : vector<1152x1xf32>
    %select_n3A_74 = arith.select %le3A_71, %select_n3A_37, %mul3A_73 : vector<1152x1xi1>, vector<1152x1xf32>
    %min3A_75 = arith.minimumf %convert_element_type3A_39, %broadcast_in_dim3A_58 : vector<1152x1xf32>
    %convert_element_type3A_76 = arith.truncf %min3A_75 : vector<1152x1xf32> to vector<1152x1xbf16>
    %convert_element_type3A_77 = arith.extf %convert_element_type3A_76 : vector<1152x1xbf16> to vector<1152x1xf32>
    %get3A_78 = arith.constant 4096 : index
    %get3A_79 = arith.constant 0 : index
    %get3A_80 = vector.load %arg3[%get3A_78, %get3A_79] : memref<8192x64xf32, #tpu.memory_space<vmem>>, vector<2048x64xf32>
    %get3A_81 = arith.constant 0 : index
    %get3A_82 = arith.constant 4096 : index
    %get3A_83 = vector.load %arg4[%get3A_81, %get3A_82] : memref<1x8192xf32, #tpu.memory_space<vmem>>, vector<1x2048xf32>
    %dot_general3A_84 = arith.constant dense<0.000000e+00> : vector<1152x2048xf32>
    %dot_general3A_85 = tpu.matmul %convert_element_type3A, %get3A_80, %dot_general3A_84 {dimension_numbers = #tpu.dot_dimension_numbers<[1], [1], [0], [0], [0, 0, 1, 0], [], []>, transpose_lhs_hint = false} : vector<1152x64xbf16>, vector<2048x64xf32>, vector<1152x2048xf32> -> vector<1152x2048xf32>
    %add3A_86 = vector.broadcast %get3A_6 : vector<1152x1xf32> to vector<1152x2048xf32>
    %add3A_87 = vector.broadcast %get3A_83 : vector<1x2048xf32> to vector<1152x2048xf32>
    %add3A_88 = arith.addf %add3A_86, %add3A_87 : vector<1152x2048xf32>
    %sub3A_89 = arith.subf %add3A_88, %dot_general3A_85 : vector<1152x2048xf32>
    %max3A_90 = arith.constant 0.000000e+00 : f32
    %max3A_91 = vector.broadcast %max3A_90 : f32 to vector<1152x2048xf32>
    %max3A_92 = arith.maximumf %sub3A_89, %max3A_91 : vector<1152x2048xf32>
    %sqrt3A_93 = math.sqrt %max3A_92 : vector<1152x2048xf32>
    %reduce_min3A_94 = arith.constant dense<0x7F800000> : vector<1152xf32>
    %reduce_min3A_95 = vector.multi_reduction <minimumf>, %sqrt3A_93, %reduce_min3A_94 [1] : vector<1152x2048xf32> to vector<1152xf32>
    %broadcast_in_dim3A_96 = vector.shape_cast %reduce_min3A_95 : vector<1152xf32> to vector<1152x1xf32>
    %eq3A_97 = vector.broadcast %broadcast_in_dim3A_96 : vector<1152x1xf32> to vector<1152x2048xf32>
    %eq3A_98 = arith.cmpf oeq, %sqrt3A_93, %eq3A_97 : vector<1152x2048xf32>
    %jit3A_99 = arith.constant 1.07374182E+9 : f32
    %broadcast_in_dim3A_100 = vector.broadcast %jit3A_99 : f32 to vector<1152x2048xf32>
    %select_n3A_101 = arith.select %eq3A_98, %convert_element_type3A_12, %broadcast_in_dim3A_100 : vector<1152x2048xi1>, vector<1152x2048xf32>
    %reduce_min3A_102 = arith.constant dense<0x7F800000> : vector<1152xf32>
    %reduce_min3A_103 = vector.multi_reduction <minimumf>, %select_n3A_101, %reduce_min3A_102 [1] : vector<1152x2048xf32> to vector<1152xf32>
    %broadcast_in_dim3A_104 = vector.shape_cast %reduce_min3A_103 : vector<1152xf32> to vector<1152x1xf32>
    %convert_element_type3A_105 = arith.fptosi %broadcast_in_dim3A_104 : vector<1152x1xf32> to vector<1152x1xi32>
    %add3A_106 = arith.constant 4096 : i32
    %add3A_107 = vector.broadcast %add3A_106 : i32 to vector<1152x1xi32>
    %add3A_108 = arith.addi %convert_element_type3A_105, %add3A_107 : vector<1152x1xi32>
    %le3A_109 = arith.cmpf ole, %convert_element_type3A_77, %broadcast_in_dim3A_96 : vector<1152x1xf32>
    %select_n3A_110 = arith.select %le3A_109, %select_n3A_72, %add3A_108 : vector<1152x1xi1>, vector<1152x1xi32>
    %mul3A_111 = arith.mulf %broadcast_in_dim3A_96, %broadcast_in_dim3A_96 : vector<1152x1xf32>
    %select_n3A_112 = arith.select %le3A_109, %select_n3A_74, %mul3A_111 : vector<1152x1xi1>, vector<1152x1xf32>
    %min3A_113 = arith.minimumf %convert_element_type3A_77, %broadcast_in_dim3A_96 : vector<1152x1xf32>
    %convert_element_type3A_114 = arith.truncf %min3A_113 : vector<1152x1xf32> to vector<1152x1xbf16>
    %convert_element_type3A_115 = arith.extf %convert_element_type3A_114 : vector<1152x1xbf16> to vector<1152x1xf32>
    %get3A_116 = arith.constant 6144 : index
    %get3A_117 = arith.constant 0 : index
    %get3A_118 = vector.load %arg3[%get3A_116, %get3A_117] : memref<8192x64xf32, #tpu.memory_space<vmem>>, vector<2048x64xf32>
    %get3A_119 = arith.constant 0 : index
    %get3A_120 = arith.constant 6144 : index
    %get3A_121 = vector.load %arg4[%get3A_119, %get3A_120] : memref<1x8192xf32, #tpu.memory_space<vmem>>, vector<1x2048xf32>
    %dot_general3A_122 = arith.constant dense<0.000000e+00> : vector<1152x2048xf32>
    %dot_general3A_123 = tpu.matmul %convert_element_type3A, %get3A_118, %dot_general3A_122 {dimension_numbers = #tpu.dot_dimension_numbers<[1], [1], [0], [0], [0, 0, 1, 0], [], []>, transpose_lhs_hint = false} : vector<1152x64xbf16>, vector<2048x64xf32>, vector<1152x2048xf32> -> vector<1152x2048xf32>
    %add3A_124 = vector.broadcast %get3A_6 : vector<1152x1xf32> to vector<1152x2048xf32>
    %add3A_125 = vector.broadcast %get3A_121 : vector<1x2048xf32> to vector<1152x2048xf32>
    %add3A_126 = arith.addf %add3A_124, %add3A_125 : vector<1152x2048xf32>
    %sub3A_127 = arith.subf %add3A_126, %dot_general3A_123 : vector<1152x2048xf32>
    %max3A_128 = arith.constant 0.000000e+00 : f32
    %max3A_129 = vector.broadcast %max3A_128 : f32 to vector<1152x2048xf32>
    %max3A_130 = arith.maximumf %sub3A_127, %max3A_129 : vector<1152x2048xf32>
    %sqrt3A_131 = math.sqrt %max3A_130 : vector<1152x2048xf32>
    %reduce_min3A_132 = arith.constant dense<0x7F800000> : vector<1152xf32>
    %reduce_min3A_133 = vector.multi_reduction <minimumf>, %sqrt3A_131, %reduce_min3A_132 [1] : vector<1152x2048xf32> to vector<1152xf32>
    %broadcast_in_dim3A_134 = vector.shape_cast %reduce_min3A_133 : vector<1152xf32> to vector<1152x1xf32>
    %eq3A_135 = vector.broadcast %broadcast_in_dim3A_134 : vector<1152x1xf32> to vector<1152x2048xf32>
    %eq3A_136 = arith.cmpf oeq, %sqrt3A_131, %eq3A_135 : vector<1152x2048xf32>
    %jit3A_137 = arith.constant 1.07374182E+9 : f32
    %broadcast_in_dim3A_138 = vector.broadcast %jit3A_137 : f32 to vector<1152x2048xf32>
    %select_n3A_139 = arith.select %eq3A_136, %convert_element_type3A_12, %broadcast_in_dim3A_138 : vector<1152x2048xi1>, vector<1152x2048xf32>
    %reduce_min3A_140 = arith.constant dense<0x7F800000> : vector<1152xf32>
    %reduce_min3A_141 = vector.multi_reduction <minimumf>, %select_n3A_139, %reduce_min3A_140 [1] : vector<1152x2048xf32> to vector<1152xf32>
    %broadcast_in_dim3A_142 = vector.shape_cast %reduce_min3A_141 : vector<1152xf32> to vector<1152x1xf32>
    %convert_element_type3A_143 = arith.fptosi %broadcast_in_dim3A_142 : vector<1152x1xf32> to vector<1152x1xi32>
    %add3A_144 = arith.constant 6144 : i32
    %add3A_145 = vector.broadcast %add3A_144 : i32 to vector<1152x1xi32>
    %add3A_146 = arith.addi %convert_element_type3A_143, %add3A_145 : vector<1152x1xi32>
    %le3A_147 = arith.cmpf ole, %convert_element_type3A_115, %broadcast_in_dim3A_134 : vector<1152x1xf32>
    %select_n3A_148 = arith.select %le3A_147, %select_n3A_110, %add3A_146 : vector<1152x1xi1>, vector<1152x1xi32>
    %mul3A_149 = arith.mulf %broadcast_in_dim3A_134, %broadcast_in_dim3A_134 : vector<1152x1xf32>
    %select_n3A_150 = arith.select %le3A_147, %select_n3A_112, %mul3A_149 : vector<1152x1xi1>, vector<1152x1xf32>
    %swap3A = arith.constant 0 : index
    %swap3A_151 = arith.constant 0 : index
    %swap3A_152 = vector.load %arg5[%swap3A, %swap3A_151] : memref<1152x1xi32, #tpu.memory_space<vmem>>, vector<1152x1xi32>
    tpu.vector_store %arg5[%swap3A, %swap3A_151], %select_n3A_148 {strides = array<i32>} : memref<1152x1xi32, #tpu.memory_space<vmem>>, vector<1152x1xi32>,
    %eq3A_153 = arith.constant 0 : i32
    %eq3A_154 = arith.cmpi eq, %arg0, %eq3A_153 : i32
    %convert_element_type3A_155 = arith.extui %eq3A_154 : i1 to i32
    %cond3A = arith.constant 0 : i32
    %cond3A_156 = arith.cmpi ne, %convert_element_type3A_155, %cond3A : i32
    scf.if %cond3A_156 {
      %broadcast_in_dim3A_168 = arith.constant 0.000000e+00 : f32
      %broadcast_in_dim3A_169 = vector.broadcast %broadcast_in_dim3A_168 : f32 to vector<1x1xf32>
      %swap3A_170 = arith.constant 0 : index
      %swap3A_171 = arith.constant 0 : index
      %swap3A_172 = vector.load %arg6[%swap3A_170, %swap3A_171] : memref<1x1xf32, #tpu.memory_space<vmem>>, vector<1x1xf32>
      tpu.vector_store %arg6[%swap3A_170, %swap3A_171], %broadcast_in_dim3A_169 {strides = array<i32>} : memref<1x1xf32, #tpu.memory_space<vmem>>, vector<1x1xf32>,
    } else {
    }
    %get3A_157 = arith.constant 0 : index
    %get3A_158 = arith.constant 0 : index
    %get3A_159 = vector.load %arg6[%get3A_157, %get3A_158] : memref<1x1xf32, #tpu.memory_space<vmem>>, vector<1x1xf32>
    %reduce_sum3A = vector.shape_cast %select_n3A_150 : vector<1152x1xf32> to vector<1x1152x1xf32>
    %reduce_sum3A_160 = arith.constant dense<0.000000e+00> : vector<1xf32>
    %reduce_sum3A_161 = vector.multi_reduction <add>, %reduce_sum3A, %reduce_sum3A_160 [1, 2] : vector<1x1152x1xf32> to vector<1xf32>
    %reduce_sum3A_162 = vector.shape_cast %reduce_sum3A_161 : vector<1xf32> to vector<1x1x1xf32>
    %reduce_sum3A_163 = vector.extract %reduce_sum3A_162[0, 0, 0] : f32 from vector<1x1x1xf32>
    %reshape3A = vector.broadcast %reduce_sum3A_163 : f32 to vector<1x1xf32>
    %add3A_164 = arith.addf %get3A_159, %reshape3A : vector<1x1xf32>
    %swap3A_165 = arith.constant 0 : index
    %swap3A_166 = arith.constant 0 : index
    %swap3A_167 = vector.load %arg6[%swap3A_165, %swap3A_166] : memref<1x1xf32, #tpu.memory_space<vmem>>, vector<1x1xf32>
    tpu.vector_store %arg6[%swap3A_165, %swap3A_166], %add3A_164 {strides = array<i32>} : memref<1x1xf32, #tpu.memory_space<vmem>>, vector<1x1xf32>,
    return
  }
  func.func @transform_0(%arg0: i32) -> (i32, i32) {
    %c0_i32 = arith.constant 0 : i32
    %c0_i32_0 = arith.constant 0 : i32
    return %arg0, %c0_i32 : i32, i32
  }
  func.func @transform_1(%arg0: i32) -> (i32, i32) {
    %c0_i32 = arith.constant 0 : i32
    %c0_i32_0 = arith.constant 0 : i32
    return %arg0, %c0_i32 : i32, i32
  }
  func.func @transform_2(%arg0: i32) -> (i32, i32) {
    %c0_i32 = arith.constant 0 : i32
    %c0_i32_0 = arith.constant 0 : i32
    %c0_i32_1 = arith.constant 0 : i32
    return %c0_i32, %c0_i32_0 : i32, i32
  }
  func.func @transform_3(%arg0: i32) -> (i32, i32) {
    %c0_i32 = arith.constant 0 : i32
    %c0_i32_0 = arith.constant 0 : i32
    %c0_i32_1 = arith.constant 0 : i32
    return %c0_i32, %c0_i32_0 : i32, i32
  }
  func.func @transform_4(%arg0: i32) -> (i32, i32) {
    %c0_i32 = arith.constant 0 : i32
    %c0_i32_0 = arith.constant 0 : i32
    return %arg0, %c0_i32 : i32, i32
  }
  func.func @transform_5(%arg0: i32) -> (i32, i32) {
    %c0_i32 = arith.constant 0 : i32
    %c0_i32_0 = arith.constant 0 : i32
    %c0_i32_1 = arith.constant 0 : i32
    return %c0_i32, %c0_i32_0 : i32, i32
  }
}

</mosaic_0001>

<sc_bundles>
// kernel: kernel.4.cloned.1.call-start
scs
__scs_entry_jumppad:
0x0: {  	(pc) =	sbr.rel $0x88, $3  }
0x1: {  	(tag) =	ssettag $0x0;
	lr =	simm.s32 $0x1  }
0x2: {  	[smem:$0x3F9F] =	sst lr;
	_ =	strace $0xD0000000  }
0x3: {  	_ = 	snop  }
0x4: {  	_ = 	snop  }
0x5: {  	_ = 	snop  }
0x6: {  	_ = 	snop  }
0x7: {  	_ = 	snop  }
__scs_overlays_trampoline_lowered:
0x8: {  	[smem:$0x3FAE] =	sst s0  }
0x9: {  	[smem:$0x3FAF] =	sst s1  }
0xa: {  	[smem:$0x3FB0] =	sst s2  }
0xb: {  	[smem:$0x3FB1] =	sst s3  }
0xc: {  	[smem:$0x3FB2] =	sst s4  }
0xd: {  	[smem:$0x3FB3] =	sst s5  }
0xe: {  	[smem:$0x3FB4] =	sst s6  }
0xf: {  	[smem:$0x3FB5] =	sst s7  }
0x10: {  	[smem:$0x3FB6] =	sst s8  }
0x11: {  	[smem:$0x3FB7] =	sst s9;
	s0 =	simm.s32 @!p0 $0x0  }
0x12: {  	s1 =	sld [smem:$0x3F9D];
	s0 =	simm.s32 @p0 $0x1  }
0x13: {  	[smem:$0x3FB8] =	sst s0;
	s0 =	simm.s32 @!p1 $0x0  }
0x14: {  	s2 =	sld [smem:$0x3F9C];
	s0 =	simm.s32 @p1 $0x1  }
0x15: {  	[smem:$0x3FB9] =	sst s0;
	s0 =	simm.s32 @!p2 $0x0  }
0x16: {  	s3 =	sld [smem:$0x3FDB];
	s0 =	simm.s32 @p2 $0x1  }
0x17: {  	s4 =	simm.s32 $0x1BF5;
	[smem:$0x3FBB] =	sst s0  }
0x18: {  	s0 =	sld [smem:$0x3F9E];
	_ =	swait.ge [sflag:s4], $0x0  }
0x19: {  	s7 =	sld [smem:$0x3F9F]  }
0x1a: {  	s8 =	sadd.s32 $0xFFFFE003, lr  }
0x1b: {  	s9 =	sadd.s32 $0xFFFFFEF7, lr;
	s5 =	simm.s32 $0xFFFFFFFF;
	p2 =	slt.u32 s8, $0xFFFFF086  }
0x1c: {  	p1 =	slt.u32 s9, $0xF7A;
	s5 =	simm.s32 @!p2 $0x0  }
0x1d: {  	s5 =	simm.s32 @p1 $0x1;
	p0 =	seq.s32 s7, s2  }
0x1e: {  	s7 =	smul.u32 @!p0 $0xF7A, s2;
	p2 =	seq.s32 @!p0 s5, $0x0  }
0x1f: {  	s9 =	smul.u32 $0xF7A, s1;
	s8 =	simm.s32 @!p0 $0x1BF5;
	p2 =	por !p2, p0  }
0x20: {  	[sflag:s8] =	ssyncset.s32 @!p0 $0xFFFFF086;
	s6 =	sadd.s32 @!p0 s3, s7;
	s7 =	simm.s32 @!p0 $0x108  }
0x21: {  	s3 =	sadd.s32 s3, s9;
	s6 =	sadd.s32 @!p0 $0x88, s6;
	s7 =	simm.s32 @p2 $0x1082  }
0x22: {  	[simem:s7], [sflag:s8] =	dma.local @!p0 [hbm:s6], $0xF7A  }
0x23: {  	s9 =	sor.u32 $0xD0000000, s2;
	s6 =	simm.s32 $0x108;
	_ =	swait.ge @!p0 [sflag:s8], $0x0  }
0x24: {  	s3 =	sadd.s32 $0x88, s3;
	s6 =	simm.s32 @!p1 $0x1082;
	[sflag:s4] =	ssyncset.s32 $0xFFFFF086  }
0x25: {  	[simem:s6], [sflag:s4] =	dma.local [hbm:s3], $0xF7A  }
0x26: {  	[smem:$0x3F9F] =	sst s1;
	(tag) =	ssettag s2;
	_ =	strace s9  }
0x27: {  	s1 =	sld [smem:$0x3FAF]  }
0x28: {  	s2 =	sld [smem:$0x3FB0]  }
0x29: {  	s4 =	sld [smem:$0x3FB2]  }
0x2a: {  	p0 =	seq.s32 s5, $0x0;
	s5 =	sld [smem:$0x3FB3]  }
0x2b: {  	s6 =	sld [smem:$0x3FB4]  }
0x2c: {  	s7 =	sld [smem:$0x3FB5]  }
0x2d: {  	s3 =	simm.s32 $0x108;
	s8 =	sld [smem:$0x3FB6]  }
0x2e: {  	s3 =	simm.s32 @!p0 $0x1082;
	s9 =	sld [smem:$0x3FB7]  }
0x2f: {  	lr =	sadd.s32 s0, s3;
	s0 =	sld [smem:$0x3FAE]  }
0x30: {  	s3 =	sld [smem:$0x3FB1]  }
0x31: {  	[smem:$0x3FBA] =	sst s10  }
0x32: {  	s10 =	sld [smem:$0x3FB8];
	_ =	sdelay $0x3  }
0x33: {  	p0 =	seq.s32 s10, $0x1;
	s10 =	sld [smem:$0x3FBA];
	_ =	sdelay $0x3  }
0x34: {  	[smem:$0x3FBA] =	sst s10  }
0x35: {  	s10 =	sld [smem:$0x3FB9];
	_ =	sdelay $0x3  }
0x36: {  	p1 =	seq.s32 s10, $0x1;
	s10 =	sld [smem:$0x3FBA];
	_ =	sdelay $0x3  }
0x37: {  	[smem:$0x3FBA] =	sst s10  }
0x38: {  	s10 =	sld [smem:$0x3FBB]  }
0x39: {  	_ = 	snop;
	(pc) =	sbr.ind lr, $3  }
0x3a: {  	_ = 	snop  }
0x3b: {  	_ = 	snop  }
0x3c: {  	p2 =	seq.s32 s10, $0x1;
	s10 =	sld [smem:$0x3FBA]  }
0x3d: {  	_ =	shalt  }
0x3e: {  	_ =	shalt  }
0x3f: {  	_ =	shalt  }
0x40: {  	_ =	shalt  }
0x41: {  	_ =	shalt  }
0x42: {  	_ =	shalt  }
0x43: {  	_ =	shalt  }
0x44: {  	_ =	shalt  }
0x45: {  	_ =	shalt  }
0x46: {  	_ =	shalt  }
0x47: {  	_ =	shalt  }
0x48: {  	_ =	shalt  }
0x49: {  	_ =	shalt  }
0x4a: {  	_ =	shalt  }
0x4b: {  	_ =	shalt  }
0x4c: {  	_ =	shalt  }
0x4d: {  	_ =	shalt  }
0x4e: {  	_ =	shalt  }
0x4f: {  	_ =	shalt  }
0x50: {  	_ =	shalt  }
0x51: {  	_ =	shalt  }
0x52: {  	_ =	shalt  }
0x53: {  	_ =	shalt  }
0x54: {  	_ =	shalt  }
0x55: {  	_ =	shalt  }
0x56: {  	_ =	shalt  }
0x57: {  	_ =	shalt  }
0x58: {  	_ =	shalt  }
0x59: {  	_ =	shalt  }
0x5a: {  	_ =	shalt  }
0x5b: {  	_ =	shalt  }
0x5c: {  	_ =	shalt  }
0x5d: {  	_ =	shalt  }
0x5e: {  	_ =	shalt  }
0x5f: {  	_ =	shalt  }
0x60: {  	_ =	shalt  }
0x61: {  	_ =	shalt  }
0x62: {  	_ =	shalt  }
0x63: {  	_ =	shalt  }
0x64: {  	_ =	shalt  }
0x65: {  	_ =	shalt  }
0x66: {  	_ =	shalt  }
0x67: {  	_ =	shalt  }
0x68: {  	_ =	shalt  }
0x69: {  	_ =	shalt  }
0x6a: {  	_ =	shalt  }
0x6b: {  	_ =	shalt  }
0x6c: {  	_ =	shalt  }
0x6d: {  	_ =	shalt  }
0x6e: {  	_ =	shalt  }
0x6f: {  	_ =	shalt  }
0x70: {  	_ =	shalt  }
0x71: {  	_ =	shalt  }
0x72: {  	_ =	shalt  }
0x73: {  	_ =	shalt  }
0x74: {  	_ =	shalt  }
0x75: {  	_ =	shalt  }
0x76: {  	_ =	shalt  }
0x77: {  	_ =	shalt  }
0x78: {  	_ =	shalt  }
0x79: {  	_ =	shalt  }
0x7a: {  	_ =	shalt  }
0x7b: {  	_ =	shalt  }
0x7c: {  	_ =	shalt  }
0x7d: {  	_ =	shalt  }
0x7e: {  	_ =	shalt  }
0x7f: {  	_ =	shalt  }
0x80: {  	_ =	shalt  }
0x81: {  	_ =	shalt  }
0x82: {  	_ =	shalt  }
0x83: {  	_ =	shalt  }
0x84: {  	_ =	shalt  }
0x85: {  	_ =	shalt  }
0x86: {  	_ =	shalt  }
0x87: {  	_ =	shalt  }
.Lfunc_end0:
.L_simem_size_0:
called_computation_lowered:
.L_overlay_start_0:
0x88: {  	s2 =	sld [smem:$0x3FD9]  }
0x89: {  	s3 =	sld [smem:$0x3FFE];
	_ =	sdelay $0x1  }
0x8a: {  	s1 =	srdreg.scid  }
0x8b: {  	s0 =	sand.u32 $0x1, s1  }
0x8c: {  	s14 =	sshll.u32 s0, $0xA;
	s2 =	sadd.s32 s3, s2  }
0x8d: {  	s2 =	sadd.s32 s2, s14  }
0x8e: {  	[smem:$0x3FC6] =	sst s2  }
0x8f: {  	_ = 	snop  }
0x90: {  	s2 =	sld [smem:$0x3FD0];
	_ =	sdelay $0x2  }
0x91: {  	s15 =	simm.s32 $0xA;
	s4 =	simm.s32 $0x10  }
0x92: {  	[smem:s4], [sflag:s15] =	dma.local [hbm:s2], $0x1  }
0x93: {  	_ =	swait.eq [sflag:s15], $0x1  }
0x94: {  	[sflag:s15] =	ssyncset.done $0x0  }
0x95: {  	[sflag:s15] =	ssyncadd.s32 $0xFFFFFFFF  }
0x96: {  	s16 =	sld [smem:$0x10];
	(tm) =	ssettm $0x1  }
0x97: {  	s17 =	sld [smem:$0x3FFB];
	_ =	sdelay $0x3  }
0x98: {  	_ =	strace s17  }
0x99: {  	s3 =	sld [smem:$0x3FFC];
	_ =	sdelay $0x3  }
0x9a: {  	_ =	strace s3  }
0x9b: {  	s3 =	sld [smem:$0x3FFD];
	_ =	sdelay $0x3  }
0x9c: {  	_ =	strace s3  }
0x9d: {  	_ =	strace $0x8FFFFFFF  }
0x9e: {  	s18 =	sld [smem:$0x3FDB];
	_ =	sdelay $0x1  }
0x9f: {  	s19 =	simm.s32 $_scs_section_size  }
0xa0: {  	s5 =	simm.s32 $_size__tile_overlayer_lowered;
	s6 =	simm.s32 $_tile_overlayer_lowered  }
0xa1: {  	s22 =	simm.s32 $0x1BFF;
	s21 =	sshll.u32 s6, $0x1;
	s3 =	sadd.s32 s19, s18  }
0xa2: {  	s7 =	simm.s32 $0x0;
	s20 =	sshll.u32 s5, $0x1;
	s5 =	sadd.s32 s21, s3  }
0xa3: {  	[timem:s7], [sflag:s22] =	dma.local [hbm:s5], s20  }
0xa4: {  	_ =	swait.ge [sflag:s22], s20  }
0xa5: {  	s4 =	ssub.s32 $0x0, s20;
	[sflag:s22] =	ssyncset.done $0x0  }
0xa6: {  	[sflag:s22] =	ssyncadd.s32 s4;
	_ =	sdelay $0x1  }
0xa7: {  	s23 =	simm.s32 $0x1B8B  }
0xa8: {  	_ =	swait.ge [sflag:s23], $0x1  }
0xa9: {  	[sflag:s23] =	ssyncset.done $0x0  }
0xaa: {  	s25 =	simm.s32 $0x1B8E;
	s24 =	sld [smem:$0x3FFE];
	[sflag:s23] =	ssyncadd.s32 $0xFFFFFFFF  }
0xab: {  	s26 =	simm.s32 $execute0_lowered;
	[smem:$0x3FD2] =	sst s25  }
0xac: {  	s5 =	sshll.u32 s26, $0x1;
	_ =	strace $0x80000046;
	[dreg:$0x1] =	wrdreg $0xFFFFFFFF  }
0xad: {  	s28 =	simm.s32 $_size_execute0_lowered;
	s3 =	sadd.s32 s3, s5;
	[dreg:$0x0] =	wrdreg $0x0  }
0xae: {  	s5 =	sshll.u32 s28, $0x1;
	[dreg:$0x2] =	wrdreg s3  }
0xaf: {  	[dreg:$0x3] =	wrdreg s5  }
0xb0: {  	[dreg:$0x4] =	wrdreg $0xC0  }
0xb1: {  	_ =	task [dreg:s7], $0x5FFFF  }
0xb2: {  	[dreg:$0x1] =	wrdreg $0xFFFFFFFF  }
0xb3: {  	[dreg:$0x0] =	wrdreg $0x60  }
0xb4: {  	[dreg:$0x2] =	wrdreg s24  }
0xb5: {  	[dreg:$0x3] =	wrdreg s16  }
0xb6: {  	[dreg:$0x4] =	wrdreg $0x9  }
0xb7: {  	_ =	task.clear_ibuf [dreg:s7], $0x5FFFF;
	_ =	strace $0x90000046  }
0xb8: {  	s29 =	simm.s32 $0x9;
	_ =	strace $0x80000048  }
0xb9: {  	_ =	swait.ge [sflag:s29], $0x1  }
0xba: {  	[sflag:s29] =	ssyncadd.s32 $0xFFFFFFFF  }
0xbb: {  	_ =	strace $0x90000048  }
0xbc: {  	_ =	sfence  }
0xbd: {  	s30 =	sld [smem:$0x0];
	_ =	sdelay $0x2  }
0xbe: {  	s31 =	sshll.u32 s1, $0xD;
	s1 =	sshrl.u32 s1, $0x2  }
0xbf: {  	s3 =	sand.u32 $0x4000, s31;
	s1 =	sadd.s32 s1, s30  }
0xc0: {  	s0 =	sor.u32 s3, s0;
	s1 =	sshll.u32 s1, $0x11  }
0xc1: {  	s0 =	sor.u32 s1, s0  }
0xc2: {  	s0 =	sadd.s32 $0x8F2B, s0  }
0xc3: {  	[sflag:s0] =	ssyncadd.remote.s32 $0x1  }
0xc4: {  	_ =	sfence.sel $0xFFFF  }
0xc5: {  	[dreg:$0x0] =	wrdreg $0xFFFFFFFF;
	(pc) =	sbr.abs _section_cstart, $3  }
0xc6: {  	[dreg:$0x1] =	wrdreg $0xFFFFFFFF  }
0xc7: {  	_ =	task.clear_ibuf [dreg:s7], $0x2FFFF;
	_ =	strace $0x9FFFFFFF  }
0xc8: {  	(tm) =	ssettm $0x7FFFFFFF  }
0xc9: {  	_ =	shalt  }
tec
execute0_lowered:
.L_overlay_start_1:
0x0: {  	(tag) =	ssettag $0x1  }
0x1: {  	s1 =	srdreg.scid;
	s0 =	stileid.u32  }
0x2: {  	s15 =	sand.u32 $0x1, s1;
	s29 =	sshll.u32 s0, $0x1  }
0x3: {  	s2 =	rddreg [dreg:$0x0];
	s16 =	sor.u32 s15, s29  }
0x4: {  	s4 =	rddreg [dreg:$0x1];
	s5 =	smul.u32 $0x120, s16  }
0x5: {  	s3 =	simm.s32 $0x0;
	s1 =	rddreg [dreg:$0x2]  }
0x6: {  	[smem:$0x7FF] =	sst s3;
	s5 =	sshrl.u32 s5, $0x3  }
0x7: {  	_ =	strace $0x80000047;
	s5 =	sadd.s32 s4, s5;
	s4 =	simm.s32 $0x2  }
0x8: {  	[tilespmem:s3], [sflag:$0x2] =	stream.linear.gather [hbm4b:s5+s3], $0x60, $0x38;
	[tilespmem:$0x9200] =	vst v63  }
0x9: {  	_ =	swait.ge [sflag:s4], $0x60  }
0xa: {  	[sflag:s4] =	ssyncset.done $0x0  }
0xb: {  	s7 =	simm.s32 $0x80;
	s6 =	sadd.s32 $0xC, s5;
	[sflag:s4] =	ssyncadd.s32 $0xFFFFFFA0  }
0xc: {  	[tilespmem:s7], [sflag:$0x2] =	stream.linear.gather [hbm4b:s6+s3], $0x60, $0x38;
	[tilespmem:$0x9200] =	vst v63  }
0xd: {  	_ =	swait.ge [sflag:s4], $0x60  }
0xe: {  	[sflag:s4] =	ssyncset.done $0x0  }
0xf: {  	s9 =	simm.s32 $0x100;
	s8 =	sadd.s32 $0x18, s5;
	[sflag:s4] =	ssyncadd.s32 $0xFFFFFFA0  }
0x10: {  	[tilespmem:s9], [sflag:$0x2] =	stream.linear.gather [hbm4b:s8+s3], $0x60, $0x38;
	[tilespmem:$0x9200] =	vst v63  }
0x11: {  	_ =	swait.ge [sflag:s4], $0x60  }
0x12: {  	[sflag:s4] =	ssyncset.done $0x0  }
0x13: {  	s10 =	simm.s32 $0x60;
	s11 =	simm.s32 $0x200;
	[sflag:s4] =	ssyncadd.s32 $0xFFFFFFA0  }
0x14: {  	[tilespmem:s11], [sflag:$0x1] =	stream.indirect.gather [hbm4b:s2+s10], $0x80, s3, s10, $0xb8;
	[tilespmem:$0x9200] =	vst v63  }
0x15: {  	s12 =	simm.s32 $0x3200  }
0x16: {  	[tilespmem:s12], [sflag:$0x1] =	stream.indirect.gather [hbm4b:s2+s10], $0x80, s7, s10, $0xb8;
	[tilespmem:$0x9200] =	vst v63  }
0x17: {  	s13 =	simm.s32 $0x6200;
	s14 =	simm.s32 $0x1  }
0x18: {  	[tilespmem:s13], [sflag:$0x1] =	stream.indirect.gather [hbm4b:s2+s10], $0x80, s9, s10, $0xb8;
	[tilespmem:$0x9200] =	vst v63  }
0x19: {  	_ =	swait.ge [sflag:s14], $0x3000  }
0x1a: {  	[sflag:s14] =	ssyncset.done $0x0  }
0x1b: {  	s15 =	ssub.s32 $0x2, s15;
	[sflag:s14] =	ssyncadd.s32 $0xFFFFD000  }
0x1c: {  	s17 =	sshrl.u32 s15, $0x1;
	_ =	swait.ge [sflag:s14], $0x3000  }
0x1d: {  	s17 =	ssub.s32 s15, s17;
	[sflag:s14] =	ssyncset.done $0x0  }
0x1e: {  	s16 =	smul.u32 $0x1200, s16;
	s31 =	smax.u32 s17, $0x1;
	[sflag:s14] =	ssyncadd.s32 $0xFFFFD000  }
0x1f: {  	p0 =	sne.s32 s31, $0x1;
	_ =	swait.ge [sflag:s14], $0x3000  }
.Ltmp0:
0x20: {  	s30 =	sadd.s32 s16, s2;
	[sflag:s14] =	ssyncset.done $0x0;
	(pc) =	sbr.rel @!p0 .LBB2_2-.Ltmp0, $4  }
0x21: {  	s15 =	sadd.s32 $0x20000, s30;
	[sflag:s14] =	ssyncadd.s32 $0xFFFFD000  }
0x22: {  	[hbm4b:s15+s3] =	stream.linear.scatter [tilespmem:s11], [sflag:$0x2], $0x9000, $0x38;
	[tilespmem:$0x9200] =	vst v63  }
0x23: {  	_ =	swait.ge [sflag:s4], $0x9000  }
0x24: {  	s16 =	sadd.s32 $0xFFFFFFFF, s31;
	[sflag:s4] =	ssyncset.done $0x0  }
.LBB2_1:
0x25: {  	p0 =	sne.s32 s16, $0x1;
	s16 =	sadd.s32 $0xFFFFFFFF, s16;
	[sflag:s4] =	ssyncadd.s32 $0xFFFF7000  }
0x26: {  	[tilespmem:s3], [sflag:$0x2] =	stream.linear.gather [hbm4b:s5+s3], $0x60, $0x38;
	[tilespmem:$0x9200] =	vst v63  }
0x27: {  	_ =	swait.ge [sflag:s4], $0x60  }
0x28: {  	[sflag:s4] =	ssyncset.done $0x0  }
0x29: {  	[sflag:s4] =	ssyncadd.s32 $0xFFFFFFA0  }
0x2a: {  	[tilespmem:s7], [sflag:$0x2] =	stream.linear.gather [hbm4b:s6+s3], $0x60, $0x38;
	[tilespmem:$0x9200] =	vst v63  }
0x2b: {  	_ =	swait.ge [sflag:s4], $0x60  }
0x2c: {  	[sflag:s4] =	ssyncset.done $0x0  }
0x2d: {  	[sflag:s4] =	ssyncadd.s32 $0xFFFFFFA0  }
0x2e: {  	[tilespmem:s9], [sflag:$0x2] =	stream.linear.gather [hbm4b:s8+s3], $0x60, $0x38;
	[tilespmem:$0x9200] =	vst v63  }
0x2f: {  	_ =	swait.ge [sflag:s4], $0x60  }
0x30: {  	[sflag:s4] =	ssyncset.done $0x0  }
0x31: {  	[sflag:s4] =	ssyncadd.s32 $0xFFFFFFA0  }
0x32: {  	[tilespmem:s11], [sflag:$0x1] =	stream.indirect.gather [hbm4b:s2+s10], $0x80, s3, s10, $0xb8;
	[tilespmem:$0x9200] =	vst v63  }
0x33: {  	_ = 	snop  }
0x34: {  	[tilespmem:s12], [sflag:$0x1] =	stream.indirect.gather [hbm4b:s2+s10], $0x80, s7, s10, $0xb8;
	[tilespmem:$0x9200] =	vst v63  }
0x35: {  	_ = 	snop  }
0x36: {  	[tilespmem:s13], [sflag:$0x1] =	stream.indirect.gather [hbm4b:s2+s10], $0x80, s9, s10, $0xb8;
	[tilespmem:$0x9200] =	vst v63  }
0x37: {  	_ =	swait.ge [sflag:s14], $0x3000  }
0x38: {  	[sflag:s14] =	ssyncset.done $0x0  }
0x39: {  	[sflag:s14] =	ssyncadd.s32 $0xFFFFD000  }
0x3a: {  	_ =	swait.ge [sflag:s14], $0x3000  }
0x3b: {  	[sflag:s14] =	ssyncset.done $0x0  }
0x3c: {  	[sflag:s14] =	ssyncadd.s32 $0xFFFFD000  }
0x3d: {  	_ =	swait.ge [sflag:s14], $0x3000  }
.Ltmp1:
0x3e: {  	[sflag:s14] =	ssyncset.done $0x0;
	(pc) =	sbr.rel @p0 .LBB2_1-.Ltmp1, $4  }
0x3f: {  	[sflag:s14] =	ssyncadd.s32 $0xFFFFD000  }
0x40: {  	[hbm4b:s15+s3] =	stream.linear.scatter [tilespmem:s11], [sflag:$0x2], $0x9000, $0x38;
	[tilespmem:$0x9200] =	vst v63  }
0x41: {  	_ =	swait.ge [sflag:s4], $0x9000  }
0x42: {  	[sflag:s4] =	ssyncset.done $0x0  }
.LBB2_2:
0x43: {  	[sflag:s4] =	ssyncadd.s32 $0xFFFF7000  }
0x44: {  	_ =	sfence.sel $0x180000  }
0x45: {  	[bflag:$0x0] =	sbarrier.arrive $0xFFFF  }
0x46: {  	p0 =	sne.s32 s0, $0x0;
	_ =	strace $0x90000047  }
0x47: {  	s0 =	sadd.s32 @!p0 $0x100000, s1;
	[bflag:$0x2] =	sbarrier.arrive $0xFFFF  }
0x48: {  	[sflag:s0] =	ssyncadd.tile.s32 @!p0 $0x1;
	_ =	shalt  }
.Lfunc_end2:
_tile_overlayer_lowered:
.L_overlay_start_2:
0x49: {  	(tag) =	ssettag $0x2  }
0x4a: {  	s0 =	rddreg [dreg:$0x0];
	s2 =	stileid.u32  }
0x4b: {  	s1 =	rddreg [dreg:$0x1];
	p0 =	sne.s32 s2, $0x0  }
0x4c: {  	s3 =	rddreg [dreg:$0x2];
	[bflag:$0x3] =	sbarrier.arrive $0xFFFF;
	s2 =	simm.s32 @!p0 $0x1C02  }
0x4d: {  	[timem:s3], [sflag:s2] =	dma.local @!p0 [hbm:s0], s1  }
0x4e: {  	s0 =	simm.s32 @!p0 $0x2  }
0x4f: {  	_ =	swait.ge @!p0 [sflag:s0], s1  }
0x50: {  	s1 =	ssub.s32 @!p0 $0x0, s1;
	[sflag:s0] =	ssyncset.done @!p0 $0x0  }
0x51: {  	[sflag:s0] =	ssyncadd.s32 @!p0 s1  }
0x52: {  	[bflag:$0x3] =	sbarrier.arrive $0xFFFF  }
0x53: {  	_ =	shalt  }

</sc_bundles>
